<compile_context>
chip_gen: v7x
topology: tpu7x:2x2x1
jax: 0.10.2.dev20260603
libtpu: 0.0.44.dev20260713+nightly
codegen_flags: <defaults>
</compile_context>

<pallas_src>
import functools

import jax
import jax.numpy as jnp
from jax import lax
from jax.experimental import pallas as pl
from jax.experimental.pallas import tpu as pltpu
from jax.experimental.pallas import tpu_sc as plsc

_LANES = 16
_NW = 16


def _hat_mask_body(emb_hbm, idx_hbm, s_hbm, out_hbm, idx_v, s_v, row_v,
                   out_v, sem_i, sem_s, sem_g):
    slc = out_v.shape[0]
    wid = lax.axis_index("s")
    cp_i = pltpu.async_copy(idx_hbm, idx_v, sem_i)
    cp_s = pltpu.async_copy(s_hbm, s_v, sem_s)
    cp_i.wait()
    base = wid * slc
    cp_g = pltpu.async_copy(emb_hbm.at[idx_v, pl.ds(base, slc)], row_v, sem_g)
    cp_s.wait()
    cp_g.wait()
    sv = s_v[...]
    for j in range(slc // _LANES):
        x = row_v[0, pl.ds(j * _LANES, _LANES)]
        out_v[pl.ds(j * _LANES, _LANES)] = 1.0 / (1.0 + jnp.exp(-(sv * x)))
    pltpu.sync_copy(out_v, out_hbm.at[pl.ds(base, slc)])


def kernel(embeddings, task_id, s):
    n_tasks, n_units = embeddings.shape
    slc = n_units // _NW
    idx = jnp.reshape(jnp.int32(task_id), (1,))
    s_vec = jnp.full((_LANES,), s, dtype=jnp.float32)

    f = functools.partial(
        pl.kernel,
        out_type=jax.ShapeDtypeStruct((n_units,), jnp.float32),
        mesh=plsc.VectorSubcoreMesh(core_axis_name="c", subcore_axis_name="s",
                                    num_cores=1),
        compiler_params=pltpu.CompilerParams(use_tc_tiling_on_sc=True),
        scratch_types=[
            pltpu.VMEM((1,), jnp.int32),
            pltpu.VMEM((_LANES,), jnp.float32),
            pltpu.VMEM((1, slc), jnp.float32),
            pltpu.VMEM((slc,), jnp.float32),
            pltpu.SemaphoreType.DMA,
            pltpu.SemaphoreType.DMA,
            pltpu.SemaphoreType.DMA,
        ],
    )(_hat_mask_body)
    return f(embeddings, idx, s_vec)

# --- scband reference (transcript-rebuilt; emitter-appended) ---
"""Pipeline reference for scband-hatmask-layer-66090956751069 (READ-ONLY COPY).

The authoritative reference and input builder live on the scoring server;
editing this copy changes nothing except your own understanding.
"""

import jax, jax.numpy as jnp
import numpy as np

NUM_TASKS = 50
NUM_UNITS = 4096

def setup_inputs(seed: int = 0) -> dict:
    key = jax.random.key(seed)
    embeddings = jax.random.uniform(key, (NUM_TASKS, NUM_UNITS), minval=-1.0, maxval=1.0, dtype=jnp.float32)
    return {"embeddings": embeddings, "task_id": 7, "s": 400}

def reference(embeddings, task_id, s):
    # HAT mask: sigmoid(s * e[task_id])  -- row gather + elementwise sigmoid
    row = jnp.take(embeddings, task_id, axis=0)
    return jax.nn.sigmoid(s * row)

if __name__ == "__main__":
    import jax
    _d = setup_inputs()
    print(jax.jit(kernel)(*tuple(_d.values())))

</pallas_src>

<mosaic_0001>
#map = affine_map<(d0, d1) -> (0, 0)>
#map1 = affine_map<(d0, d1) -> (0)>
module attributes {stable_mosaic.version = 14 : i64} {
  func.func @_hat_mask_body(%arg0: i32, %arg1: i32, %arg2: memref<50x4096xf32, #tpu.memory_space<hbm>>, %arg3: memref<1xi32, #tpu.memory_space<hbm>>, %arg4: memref<16xf32, #tpu.memory_space<hbm>>, %arg5: memref<4096xf32, #tpu.memory_space<hbm>>, %arg6: memref<1xi32, #tpu.memory_space<vmem>>, %arg7: memref<16xf32, #tpu.memory_space<vmem>>, %arg8: memref<1x256xf32, #tpu.memory_space<vmem>>, %arg9: memref<256xf32, #tpu.memory_space<vmem>>, %arg10: memref<!tpu.dma_semaphore, #tpu.memory_space<semaphore_mem>>, %arg11: memref<!tpu.dma_semaphore, #tpu.memory_space<semaphore_mem>>, %arg12: memref<!tpu.dma_semaphore, #tpu.memory_space<semaphore_mem>>) attributes {dimension_semantics = [#tpu.dimension_semantics<core_parallel>, #tpu.dimension_semantics<subcore_parallel>], iteration_bounds = array<i64: 1, 16>, scalar_prefetch = 0 : i64, scratch_operands = 7 : i64, tpu.core_type = #tpu.core_type<sc_vector_subcore>, window_params = [{transform_indices = #map}, {transform_indices = #map1}, {transform_indices = #map1}, {transform_indices = #map1}]} {
    tpu.enqueue_dma source(%arg3 : memref<1xi32, #tpu.memory_space<hbm>>) target(%arg6 : memref<1xi32, #tpu.memory_space<vmem>>) target_semaphore(%arg10 : memref<!tpu.dma_semaphore, #tpu.memory_space<semaphore_mem>>)
    tpu.enqueue_dma source(%arg4 : memref<16xf32, #tpu.memory_space<hbm>>) target(%arg7 : memref<16xf32, #tpu.memory_space<vmem>>) target_semaphore(%arg11 : memref<!tpu.dma_semaphore, #tpu.memory_space<semaphore_mem>>)
    tpu.wait_dma2 semaphore(%arg10 : memref<!tpu.dma_semaphore, #tpu.memory_space<semaphore_mem>>) src(%arg3 : memref<1xi32, #tpu.memory_space<hbm>>) dst(%arg6 : memref<1xi32, #tpu.memory_space<vmem>>)
    %mul3A = arith.constant 256 : i32
    %mul3A_0 = arith.muli %arg1, %mul3A : i32
    %dma_start3A = arith.constant 0 : i32
    %dma_start3A_1 = tpu.memref_slice %arg2[%dma_start3A, %mul3A_0] : memref<50x4096xf32, #tpu.memory_space<hbm>> -> memref<50x256xf32, #tpu.memory_space<hbm>>
    tpu.enqueue_indirect_dma source(%dma_start3A_1 : memref<50x256xf32, #tpu.memory_space<hbm>>) target(%arg8 : memref<1x256xf32, #tpu.memory_space<vmem>>) offsets(%arg6 : memref<1xi32, #tpu.memory_space<vmem>>) semaphore(%arg12 : memref<!tpu.dma_semaphore, #tpu.memory_space<semaphore_mem>>)
    tpu.wait_dma2 semaphore(%arg11 : memref<!tpu.dma_semaphore, #tpu.memory_space<semaphore_mem>>) src(%arg4 : memref<16xf32, #tpu.memory_space<hbm>>) dst(%arg7 : memref<16xf32, #tpu.memory_space<vmem>>)
    %dma_wait3A = arith.constant 0 : i32
    %dma_wait3A_2 = tpu.memref_slice %arg2[%dma_wait3A, %mul3A_0] : memref<50x4096xf32, #tpu.memory_space<hbm>> -> memref<50x256xf32, #tpu.memory_space<hbm>>
    tpu.wait_indirect_dma semaphore(%arg12 : memref<!tpu.dma_semaphore, #tpu.memory_space<semaphore_mem>>) src(%dma_wait3A_2 : memref<50x256xf32, #tpu.memory_space<hbm>>) dst(%arg8 : memref<1x256xf32, #tpu.memory_space<vmem>>)
    %get3A = arith.constant 0 : index
    %get3A_3 = tpu.vector_load %arg7[%get3A] {strides = array<i32>} : memref<16xf32, #tpu.memory_space<vmem>>, vector<16xf32>,
    %get3A_4 = vector.shape_cast %get3A_3 : vector<16xf32> to vector<16xf32>
    %get3A_5 = arith.constant 0 : i32
    %get3A_6 = arith.index_cast %get3A_5 : i32 to index
    %get3A_7 = arith.constant 0 : index
    %get3A_8 = tpu.vector_load %arg8[%get3A_6, %get3A_7] {strides = array<i32>} : memref<1x256xf32, #tpu.memory_space<vmem>>, vector<1x16xf32>,
    %get3A_9 = vector.shape_cast %get3A_8 : vector<1x16xf32> to vector<16xf32>
    %mul3A_10 = arith.mulf %get3A_4, %get3A_9 : vector<16xf32>
    %neg3A = arith.constant 0.000000e+00 : f32
    %neg3A_11 = vector.broadcast %neg3A : f32 to vector<16xf32>
    %neg3A_12 = arith.subf %neg3A_11, %mul3A_10 : vector<16xf32>
    %exp3A = math.exp %neg3A_12 : vector<16xf32>
    %add3A = arith.constant 1.000000e+00 : f32
    %add3A_13 = vector.broadcast %add3A : f32 to vector<16xf32>
    %add3A_14 = arith.addf %add3A_13, %exp3A : vector<16xf32>
    %div3A = arith.constant 1.000000e+00 : f32
    %div3A_15 = vector.broadcast %div3A : f32 to vector<16xf32>
    %div3A_16 = arith.divf %div3A_15, %add3A_14 : vector<16xf32>
    %swap3A = arith.constant 0 : index
    %swap3A_17 = tpu.vector_load %arg9[%swap3A] {strides = array<i32>} : memref<256xf32, #tpu.memory_space<vmem>>, vector<16xf32>,
    %swap3A_18 = vector.shape_cast %swap3A_17 : vector<16xf32> to vector<16xf32>
    %swap3A_19 = vector.shape_cast %div3A_16 : vector<16xf32> to vector<16xf32>
    tpu.vector_store %arg9[%swap3A], %swap3A_19 {strides = array<i32>} : memref<256xf32, #tpu.memory_space<vmem>>, vector<16xf32>,
    %get3A_20 = arith.constant 0 : i32
    %get3A_21 = arith.index_cast %get3A_20 : i32 to index
    %get3A_22 = arith.constant 16 : index
    %get3A_23 = tpu.vector_load %arg8[%get3A_21, %get3A_22] {strides = array<i32>} : memref<1x256xf32, #tpu.memory_space<vmem>>, vector<1x16xf32>,
    %get3A_24 = vector.shape_cast %get3A_23 : vector<1x16xf32> to vector<16xf32>
    %mul3A_25 = arith.mulf %get3A_4, %get3A_24 : vector<16xf32>
    %neg3A_26 = arith.constant 0.000000e+00 : f32
    %neg3A_27 = vector.broadcast %neg3A_26 : f32 to vector<16xf32>
    %neg3A_28 = arith.subf %neg3A_27, %mul3A_25 : vector<16xf32>
    %exp3A_29 = math.exp %neg3A_28 : vector<16xf32>
    %add3A_30 = arith.constant 1.000000e+00 : f32
    %add3A_31 = vector.broadcast %add3A_30 : f32 to vector<16xf32>
    %add3A_32 = arith.addf %add3A_31, %exp3A_29 : vector<16xf32>
    %div3A_33 = arith.constant 1.000000e+00 : f32
    %div3A_34 = vector.broadcast %div3A_33 : f32 to vector<16xf32>
    %div3A_35 = arith.divf %div3A_34, %add3A_32 : vector<16xf32>
    %swap3A_36 = arith.constant 16 : index
    %swap3A_37 = tpu.vector_load %arg9[%swap3A_36] {strides = array<i32>} : memref<256xf32, #tpu.memory_space<vmem>>, vector<16xf32>,
    %swap3A_38 = vector.shape_cast %swap3A_37 : vector<16xf32> to vector<16xf32>
    %swap3A_39 = vector.shape_cast %div3A_35 : vector<16xf32> to vector<16xf32>
    tpu.vector_store %arg9[%swap3A_36], %swap3A_39 {strides = array<i32>} : memref<256xf32, #tpu.memory_space<vmem>>, vector<16xf32>,
    %get3A_40 = arith.constant 0 : i32
    %get3A_41 = arith.index_cast %get3A_40 : i32 to index
    %get3A_42 = arith.constant 32 : index
    %get3A_43 = tpu.vector_load %arg8[%get3A_41, %get3A_42] {strides = array<i32>} : memref<1x256xf32, #tpu.memory_space<vmem>>, vector<1x16xf32>,
    %get3A_44 = vector.shape_cast %get3A_43 : vector<1x16xf32> to vector<16xf32>
    %mul3A_45 = arith.mulf %get3A_4, %get3A_44 : vector<16xf32>
    %neg3A_46 = arith.constant 0.000000e+00 : f32
    %neg3A_47 = vector.broadcast %neg3A_46 : f32 to vector<16xf32>
    %neg3A_48 = arith.subf %neg3A_47, %mul3A_45 : vector<16xf32>
    %exp3A_49 = math.exp %neg3A_48 : vector<16xf32>
    %add3A_50 = arith.constant 1.000000e+00 : f32
    %add3A_51 = vector.broadcast %add3A_50 : f32 to vector<16xf32>
    %add3A_52 = arith.addf %add3A_51, %exp3A_49 : vector<16xf32>
    %div3A_53 = arith.constant 1.000000e+00 : f32
    %div3A_54 = vector.broadcast %div3A_53 : f32 to vector<16xf32>
    %div3A_55 = arith.divf %div3A_54, %add3A_52 : vector<16xf32>
    %swap3A_56 = arith.constant 32 : index
    %swap3A_57 = tpu.vector_load %arg9[%swap3A_56] {strides = array<i32>} : memref<256xf32, #tpu.memory_space<vmem>>, vector<16xf32>,
    %swap3A_58 = vector.shape_cast %swap3A_57 : vector<16xf32> to vector<16xf32>
    %swap3A_59 = vector.shape_cast %div3A_55 : vector<16xf32> to vector<16xf32>
    tpu.vector_store %arg9[%swap3A_56], %swap3A_59 {strides = array<i32>} : memref<256xf32, #tpu.memory_space<vmem>>, vector<16xf32>,
    %get3A_60 = arith.constant 0 : i32
    %get3A_61 = arith.index_cast %get3A_60 : i32 to index
    %get3A_62 = arith.constant 48 : index
    %get3A_63 = tpu.vector_load %arg8[%get3A_61, %get3A_62] {strides = array<i32>} : memref<1x256xf32, #tpu.memory_space<vmem>>, vector<1x16xf32>,
    %get3A_64 = vector.shape_cast %get3A_63 : vector<1x16xf32> to vector<16xf32>
    %mul3A_65 = arith.mulf %get3A_4, %get3A_64 : vector<16xf32>
    %neg3A_66 = arith.constant 0.000000e+00 : f32
    %neg3A_67 = vector.broadcast %neg3A_66 : f32 to vector<16xf32>
    %neg3A_68 = arith.subf %neg3A_67, %mul3A_65 : vector<16xf32>
    %exp3A_69 = math.exp %neg3A_68 : vector<16xf32>
    %add3A_70 = arith.constant 1.000000e+00 : f32
    %add3A_71 = vector.broadcast %add3A_70 : f32 to vector<16xf32>
    %add3A_72 = arith.addf %add3A_71, %exp3A_69 : vector<16xf32>
    %div3A_73 = arith.constant 1.000000e+00 : f32
    %div3A_74 = vector.broadcast %div3A_73 : f32 to vector<16xf32>
    %div3A_75 = arith.divf %div3A_74, %add3A_72 : vector<16xf32>
    %swap3A_76 = arith.constant 48 : index
    %swap3A_77 = tpu.vector_load %arg9[%swap3A_76] {strides = array<i32>} : memref<256xf32, #tpu.memory_space<vmem>>, vector<16xf32>,
    %swap3A_78 = vector.shape_cast %swap3A_77 : vector<16xf32> to vector<16xf32>
    %swap3A_79 = vector.shape_cast %div3A_75 : vector<16xf32> to vector<16xf32>
    tpu.vector_store %arg9[%swap3A_76], %swap3A_79 {strides = array<i32>} : memref<256xf32, #tpu.memory_space<vmem>>, vector<16xf32>,
    %get3A_80 = arith.constant 0 : i32
    %get3A_81 = arith.index_cast %get3A_80 : i32 to index
    %get3A_82 = arith.constant 64 : index
    %get3A_83 = tpu.vector_load %arg8[%get3A_81, %get3A_82] {strides = array<i32>} : memref<1x256xf32, #tpu.memory_space<vmem>>, vector<1x16xf32>,
    %get3A_84 = vector.shape_cast %get3A_83 : vector<1x16xf32> to vector<16xf32>
    %mul3A_85 = arith.mulf %get3A_4, %get3A_84 : vector<16xf32>
    %neg3A_86 = arith.constant 0.000000e+00 : f32
    %neg3A_87 = vector.broadcast %neg3A_86 : f32 to vector<16xf32>
    %neg3A_88 = arith.subf %neg3A_87, %mul3A_85 : vector<16xf32>
    %exp3A_89 = math.exp %neg3A_88 : vector<16xf32>
    %add3A_90 = arith.constant 1.000000e+00 : f32
    %add3A_91 = vector.broadcast %add3A_90 : f32 to vector<16xf32>
    %add3A_92 = arith.addf %add3A_91, %exp3A_89 : vector<16xf32>
    %div3A_93 = arith.constant 1.000000e+00 : f32
    %div3A_94 = vector.broadcast %div3A_93 : f32 to vector<16xf32>
    %div3A_95 = arith.divf %div3A_94, %add3A_92 : vector<16xf32>
    %swap3A_96 = arith.constant 64 : index
    %swap3A_97 = tpu.vector_load %arg9[%swap3A_96] {strides = array<i32>} : memref<256xf32, #tpu.memory_space<vmem>>, vector<16xf32>,
    %swap3A_98 = vector.shape_cast %swap3A_97 : vector<16xf32> to vector<16xf32>
    %swap3A_99 = vector.shape_cast %div3A_95 : vector<16xf32> to vector<16xf32>
    tpu.vector_store %arg9[%swap3A_96], %swap3A_99 {strides = array<i32>} : memref<256xf32, #tpu.memory_space<vmem>>, vector<16xf32>,
    %get3A_100 = arith.constant 0 : i32
    %get3A_101 = arith.index_cast %get3A_100 : i32 to index
    %get3A_102 = arith.constant 80 : index
    %get3A_103 = tpu.vector_load %arg8[%get3A_101, %get3A_102] {strides = array<i32>} : memref<1x256xf32, #tpu.memory_space<vmem>>, vector<1x16xf32>,
    %get3A_104 = vector.shape_cast %get3A_103 : vector<1x16xf32> to vector<16xf32>
    %mul3A_105 = arith.mulf %get3A_4, %get3A_104 : vector<16xf32>
    %neg3A_106 = arith.constant 0.000000e+00 : f32
    %neg3A_107 = vector.broadcast %neg3A_106 : f32 to vector<16xf32>
    %neg3A_108 = arith.subf %neg3A_107, %mul3A_105 : vector<16xf32>
    %exp3A_109 = math.exp %neg3A_108 : vector<16xf32>
    %add3A_110 = arith.constant 1.000000e+00 : f32
    %add3A_111 = vector.broadcast %add3A_110 : f32 to vector<16xf32>
    %add3A_112 = arith.addf %add3A_111, %exp3A_109 : vector<16xf32>
    %div3A_113 = arith.constant 1.000000e+00 : f32
    %div3A_114 = vector.broadcast %div3A_113 : f32 to vector<16xf32>
    %div3A_115 = arith.divf %div3A_114, %add3A_112 : vector<16xf32>
    %swap3A_116 = arith.constant 80 : index
    %swap3A_117 = tpu.vector_load %arg9[%swap3A_116] {strides = array<i32>} : memref<256xf32, #tpu.memory_space<vmem>>, vector<16xf32>,
    %swap3A_118 = vector.shape_cast %swap3A_117 : vector<16xf32> to vector<16xf32>
    %swap3A_119 = vector.shape_cast %div3A_115 : vector<16xf32> to vector<16xf32>
    tpu.vector_store %arg9[%swap3A_116], %swap3A_119 {strides = array<i32>} : memref<256xf32, #tpu.memory_space<vmem>>, vector<16xf32>,
    %get3A_120 = arith.constant 0 : i32
    %get3A_121 = arith.index_cast %get3A_120 : i32 to index
    %get3A_122 = arith.constant 96 : index
    %get3A_123 = tpu.vector_load %arg8[%get3A_121, %get3A_122] {strides = array<i32>} : memref<1x256xf32, #tpu.memory_space<vmem>>, vector<1x16xf32>,
    %get3A_124 = vector.shape_cast %get3A_123 : vector<1x16xf32> to vector<16xf32>
    %mul3A_125 = arith.mulf %get3A_4, %get3A_124 : vector<16xf32>
    %neg3A_126 = arith.constant 0.000000e+00 : f32
    %neg3A_127 = vector.broadcast %neg3A_126 : f32 to vector<16xf32>
    %neg3A_128 = arith.subf %neg3A_127, %mul3A_125 : vector<16xf32>
    %exp3A_129 = math.exp %neg3A_128 : vector<16xf32>
    %add3A_130 = arith.constant 1.000000e+00 : f32
    %add3A_131 = vector.broadcast %add3A_130 : f32 to vector<16xf32>
    %add3A_132 = arith.addf %add3A_131, %exp3A_129 : vector<16xf32>
    %div3A_133 = arith.constant 1.000000e+00 : f32
    %div3A_134 = vector.broadcast %div3A_133 : f32 to vector<16xf32>
    %div3A_135 = arith.divf %div3A_134, %add3A_132 : vector<16xf32>
    %swap3A_136 = arith.constant 96 : index
    %swap3A_137 = tpu.vector_load %arg9[%swap3A_136] {strides = array<i32>} : memref<256xf32, #tpu.memory_space<vmem>>, vector<16xf32>,
    %swap3A_138 = vector.shape_cast %swap3A_137 : vector<16xf32> to vector<16xf32>
    %swap3A_139 = vector.shape_cast %div3A_135 : vector<16xf32> to vector<16xf32>
    tpu.vector_store %arg9[%swap3A_136], %swap3A_139 {strides = array<i32>} : memref<256xf32, #tpu.memory_space<vmem>>, vector<16xf32>,
    %get3A_140 = arith.constant 0 : i32
    %get3A_141 = arith.index_cast %get3A_140 : i32 to index
    %get3A_142 = arith.constant 112 : index
    %get3A_143 = tpu.vector_load %arg8[%get3A_141, %get3A_142] {strides = array<i32>} : memref<1x256xf32, #tpu.memory_space<vmem>>, vector<1x16xf32>,
    %get3A_144 = vector.shape_cast %get3A_143 : vector<1x16xf32> to vector<16xf32>
    %mul3A_145 = arith.mulf %get3A_4, %get3A_144 : vector<16xf32>
    %neg3A_146 = arith.constant 0.000000e+00 : f32
    %neg3A_147 = vector.broadcast %neg3A_146 : f32 to vector<16xf32>
    %neg3A_148 = arith.subf %neg3A_147, %mul3A_145 : vector<16xf32>
    %exp3A_149 = math.exp %neg3A_148 : vector<16xf32>
    %add3A_150 = arith.constant 1.000000e+00 : f32
    %add3A_151 = vector.broadcast %add3A_150 : f32 to vector<16xf32>
    %add3A_152 = arith.addf %add3A_151, %exp3A_149 : vector<16xf32>
    %div3A_153 = arith.constant 1.000000e+00 : f32
    %div3A_154 = vector.broadcast %div3A_153 : f32 to vector<16xf32>
    %div3A_155 = arith.divf %div3A_154, %add3A_152 : vector<16xf32>
    %swap3A_156 = arith.constant 112 : index
    %swap3A_157 = tpu.vector_load %arg9[%swap3A_156] {strides = array<i32>} : memref<256xf32, #tpu.memory_space<vmem>>, vector<16xf32>,
    %swap3A_158 = vector.shape_cast %swap3A_157 : vector<16xf32> to vector<16xf32>
    %swap3A_159 = vector.shape_cast %div3A_155 : vector<16xf32> to vector<16xf32>
    tpu.vector_store %arg9[%swap3A_156], %swap3A_159 {strides = array<i32>} : memref<256xf32, #tpu.memory_space<vmem>>, vector<16xf32>,
    %get3A_160 = arith.constant 0 : i32
    %get3A_161 = arith.index_cast %get3A_160 : i32 to index
    %get3A_162 = arith.constant 128 : index
    %get3A_163 = tpu.vector_load %arg8[%get3A_161, %get3A_162] {strides = array<i32>} : memref<1x256xf32, #tpu.memory_space<vmem>>, vector<1x16xf32>,
    %get3A_164 = vector.shape_cast %get3A_163 : vector<1x16xf32> to vector<16xf32>
    %mul3A_165 = arith.mulf %get3A_4, %get3A_164 : vector<16xf32>
    %neg3A_166 = arith.constant 0.000000e+00 : f32
    %neg3A_167 = vector.broadcast %neg3A_166 : f32 to vector<16xf32>
    %neg3A_168 = arith.subf %neg3A_167, %mul3A_165 : vector<16xf32>
    %exp3A_169 = math.exp %neg3A_168 : vector<16xf32>
    %add3A_170 = arith.constant 1.000000e+00 : f32
    %add3A_171 = vector.broadcast %add3A_170 : f32 to vector<16xf32>
    %add3A_172 = arith.addf %add3A_171, %exp3A_169 : vector<16xf32>
    %div3A_173 = arith.constant 1.000000e+00 : f32
    %div3A_174 = vector.broadcast %div3A_173 : f32 to vector<16xf32>
    %div3A_175 = arith.divf %div3A_174, %add3A_172 : vector<16xf32>
    %swap3A_176 = arith.constant 128 : index
    %swap3A_177 = tpu.vector_load %arg9[%swap3A_176] {strides = array<i32>} : memref<256xf32, #tpu.memory_space<vmem>>, vector<16xf32>,
    %swap3A_178 = vector.shape_cast %swap3A_177 : vector<16xf32> to vector<16xf32>
    %swap3A_179 = vector.shape_cast %div3A_175 : vector<16xf32> to vector<16xf32>
    tpu.vector_store %arg9[%swap3A_176], %swap3A_179 {strides = array<i32>} : memref<256xf32, #tpu.memory_space<vmem>>, vector<16xf32>,
    %get3A_180 = arith.constant 0 : i32
    %get3A_181 = arith.index_cast %get3A_180 : i32 to index
    %get3A_182 = arith.constant 144 : index
    %get3A_183 = tpu.vector_load %arg8[%get3A_181, %get3A_182] {strides = array<i32>} : memref<1x256xf32, #tpu.memory_space<vmem>>, vector<1x16xf32>,
    %get3A_184 = vector.shape_cast %get3A_183 : vector<1x16xf32> to vector<16xf32>
    %mul3A_185 = arith.mulf %get3A_4, %get3A_184 : vector<16xf32>
    %neg3A_186 = arith.constant 0.000000e+00 : f32
    %neg3A_187 = vector.broadcast %neg3A_186 : f32 to vector<16xf32>
    %neg3A_188 = arith.subf %neg3A_187, %mul3A_185 : vector<16xf32>
    %exp3A_189 = math.exp %neg3A_188 : vector<16xf32>
    %add3A_190 = arith.constant 1.000000e+00 : f32
    %add3A_191 = vector.broadcast %add3A_190 : f32 to vector<16xf32>
    %add3A_192 = arith.addf %add3A_191, %exp3A_189 : vector<16xf32>
    %div3A_193 = arith.constant 1.000000e+00 : f32
    %div3A_194 = vector.broadcast %div3A_193 : f32 to vector<16xf32>
    %div3A_195 = arith.divf %div3A_194, %add3A_192 : vector<16xf32>
    %swap3A_196 = arith.constant 144 : index
    %swap3A_197 = tpu.vector_load %arg9[%swap3A_196] {strides = array<i32>} : memref<256xf32, #tpu.memory_space<vmem>>, vector<16xf32>,
    %swap3A_198 = vector.shape_cast %swap3A_197 : vector<16xf32> to vector<16xf32>
    %swap3A_199 = vector.shape_cast %div3A_195 : vector<16xf32> to vector<16xf32>
    tpu.vector_store %arg9[%swap3A_196], %swap3A_199 {strides = array<i32>} : memref<256xf32, #tpu.memory_space<vmem>>, vector<16xf32>,
    %get3A_200 = arith.constant 0 : i32
    %get3A_201 = arith.index_cast %get3A_200 : i32 to index
    %get3A_202 = arith.constant 160 : index
    %get3A_203 = tpu.vector_load %arg8[%get3A_201, %get3A_202] {strides = array<i32>} : memref<1x256xf32, #tpu.memory_space<vmem>>, vector<1x16xf32>,
    %get3A_204 = vector.shape_cast %get3A_203 : vector<1x16xf32> to vector<16xf32>
    %mul3A_205 = arith.mulf %get3A_4, %get3A_204 : vector<16xf32>
    %neg3A_206 = arith.constant 0.000000e+00 : f32
    %neg3A_207 = vector.broadcast %neg3A_206 : f32 to vector<16xf32>
    %neg3A_208 = arith.subf %neg3A_207, %mul3A_205 : vector<16xf32>
    %exp3A_209 = math.exp %neg3A_208 : vector<16xf32>
    %add3A_210 = arith.constant 1.000000e+00 : f32
    %add3A_211 = vector.broadcast %add3A_210 : f32 to vector<16xf32>
    %add3A_212 = arith.addf %add3A_211, %exp3A_209 : vector<16xf32>
    %div3A_213 = arith.constant 1.000000e+00 : f32
    %div3A_214 = vector.broadcast %div3A_213 : f32 to vector<16xf32>
    %div3A_215 = arith.divf %div3A_214, %add3A_212 : vector<16xf32>
    %swap3A_216 = arith.constant 160 : index
    %swap3A_217 = tpu.vector_load %arg9[%swap3A_216] {strides = array<i32>} : memref<256xf32, #tpu.memory_space<vmem>>, vector<16xf32>,
    %swap3A_218 = vector.shape_cast %swap3A_217 : vector<16xf32> to vector<16xf32>
    %swap3A_219 = vector.shape_cast %div3A_215 : vector<16xf32> to vector<16xf32>
    tpu.vector_store %arg9[%swap3A_216], %swap3A_219 {strides = array<i32>} : memref<256xf32, #tpu.memory_space<vmem>>, vector<16xf32>,
    %get3A_220 = arith.constant 0 : i32
    %get3A_221 = arith.index_cast %get3A_220 : i32 to index
    %get3A_222 = arith.constant 176 : index
    %get3A_223 = tpu.vector_load %arg8[%get3A_221, %get3A_222] {strides = array<i32>} : memref<1x256xf32, #tpu.memory_space<vmem>>, vector<1x16xf32>,
    %get3A_224 = vector.shape_cast %get3A_223 : vector<1x16xf32> to vector<16xf32>
    %mul3A_225 = arith.mulf %get3A_4, %get3A_224 : vector<16xf32>
    %neg3A_226 = arith.constant 0.000000e+00 : f32
    %neg3A_227 = vector.broadcast %neg3A_226 : f32 to vector<16xf32>
    %neg3A_228 = arith.subf %neg3A_227, %mul3A_225 : vector<16xf32>
    %exp3A_229 = math.exp %neg3A_228 : vector<16xf32>
    %add3A_230 = arith.constant 1.000000e+00 : f32
    %add3A_231 = vector.broadcast %add3A_230 : f32 to vector<16xf32>
    %add3A_232 = arith.addf %add3A_231, %exp3A_229 : vector<16xf32>
    %div3A_233 = arith.constant 1.000000e+00 : f32
    %div3A_234 = vector.broadcast %div3A_233 : f32 to vector<16xf32>
    %div3A_235 = arith.divf %div3A_234, %add3A_232 : vector<16xf32>
    %swap3A_236 = arith.constant 176 : index
    %swap3A_237 = tpu.vector_load %arg9[%swap3A_236] {strides = array<i32>} : memref<256xf32, #tpu.memory_space<vmem>>, vector<16xf32>,
    %swap3A_238 = vector.shape_cast %swap3A_237 : vector<16xf32> to vector<16xf32>
    %swap3A_239 = vector.shape_cast %div3A_235 : vector<16xf32> to vector<16xf32>
    tpu.vector_store %arg9[%swap3A_236], %swap3A_239 {strides = array<i32>} : memref<256xf32, #tpu.memory_space<vmem>>, vector<16xf32>,
    %get3A_240 = arith.constant 0 : i32
    %get3A_241 = arith.index_cast %get3A_240 : i32 to index
    %get3A_242 = arith.constant 192 : index
    %get3A_243 = tpu.vector_load %arg8[%get3A_241, %get3A_242] {strides = array<i32>} : memref<1x256xf32, #tpu.memory_space<vmem>>, vector<1x16xf32>,
    %get3A_244 = vector.shape_cast %get3A_243 : vector<1x16xf32> to vector<16xf32>
    %mul3A_245 = arith.mulf %get3A_4, %get3A_244 : vector<16xf32>
    %neg3A_246 = arith.constant 0.000000e+00 : f32
    %neg3A_247 = vector.broadcast %neg3A_246 : f32 to vector<16xf32>
    %neg3A_248 = arith.subf %neg3A_247, %mul3A_245 : vector<16xf32>
    %exp3A_249 = math.exp %neg3A_248 : vector<16xf32>
    %add3A_250 = arith.constant 1.000000e+00 : f32
    %add3A_251 = vector.broadcast %add3A_250 : f32 to vector<16xf32>
    %add3A_252 = arith.addf %add3A_251, %exp3A_249 : vector<16xf32>
    %div3A_253 = arith.constant 1.000000e+00 : f32
    %div3A_254 = vector.broadcast %div3A_253 : f32 to vector<16xf32>
    %div3A_255 = arith.divf %div3A_254, %add3A_252 : vector<16xf32>
    %swap3A_256 = arith.constant 192 : index
    %swap3A_257 = tpu.vector_load %arg9[%swap3A_256] {strides = array<i32>} : memref<256xf32, #tpu.memory_space<vmem>>, vector<16xf32>,
    %swap3A_258 = vector.shape_cast %swap3A_257 : vector<16xf32> to vector<16xf32>
    %swap3A_259 = vector.shape_cast %div3A_255 : vector<16xf32> to vector<16xf32>
    tpu.vector_store %arg9[%swap3A_256], %swap3A_259 {strides = array<i32>} : memref<256xf32, #tpu.memory_space<vmem>>, vector<16xf32>,
    %get3A_260 = arith.constant 0 : i32
    %get3A_261 = arith.index_cast %get3A_260 : i32 to index
    %get3A_262 = arith.constant 208 : index
    %get3A_263 = tpu.vector_load %arg8[%get3A_261, %get3A_262] {strides = array<i32>} : memref<1x256xf32, #tpu.memory_space<vmem>>, vector<1x16xf32>,
    %get3A_264 = vector.shape_cast %get3A_263 : vector<1x16xf32> to vector<16xf32>
    %mul3A_265 = arith.mulf %get3A_4, %get3A_264 : vector<16xf32>
    %neg3A_266 = arith.constant 0.000000e+00 : f32
    %neg3A_267 = vector.broadcast %neg3A_266 : f32 to vector<16xf32>
    %neg3A_268 = arith.subf %neg3A_267, %mul3A_265 : vector<16xf32>
    %exp3A_269 = math.exp %neg3A_268 : vector<16xf32>
    %add3A_270 = arith.constant 1.000000e+00 : f32
    %add3A_271 = vector.broadcast %add3A_270 : f32 to vector<16xf32>
    %add3A_272 = arith.addf %add3A_271, %exp3A_269 : vector<16xf32>
    %div3A_273 = arith.constant 1.000000e+00 : f32
    %div3A_274 = vector.broadcast %div3A_273 : f32 to vector<16xf32>
    %div3A_275 = arith.divf %div3A_274, %add3A_272 : vector<16xf32>
    %swap3A_276 = arith.constant 208 : index
    %swap3A_277 = tpu.vector_load %arg9[%swap3A_276] {strides = array<i32>} : memref<256xf32, #tpu.memory_space<vmem>>, vector<16xf32>,
    %swap3A_278 = vector.shape_cast %swap3A_277 : vector<16xf32> to vector<16xf32>
    %swap3A_279 = vector.shape_cast %div3A_275 : vector<16xf32> to vector<16xf32>
    tpu.vector_store %arg9[%swap3A_276], %swap3A_279 {strides = array<i32>} : memref<256xf32, #tpu.memory_space<vmem>>, vector<16xf32>,
    %get3A_280 = arith.constant 0 : i32
    %get3A_281 = arith.index_cast %get3A_280 : i32 to index
    %get3A_282 = arith.constant 224 : index
    %get3A_283 = tpu.vector_load %arg8[%get3A_281, %get3A_282] {strides = array<i32>} : memref<1x256xf32, #tpu.memory_space<vmem>>, vector<1x16xf32>,
    %get3A_284 = vector.shape_cast %get3A_283 : vector<1x16xf32> to vector<16xf32>
    %mul3A_285 = arith.mulf %get3A_4, %get3A_284 : vector<16xf32>
    %neg3A_286 = arith.constant 0.000000e+00 : f32
    %neg3A_287 = vector.broadcast %neg3A_286 : f32 to vector<16xf32>
    %neg3A_288 = arith.subf %neg3A_287, %mul3A_285 : vector<16xf32>
    %exp3A_289 = math.exp %neg3A_288 : vector<16xf32>
    %add3A_290 = arith.constant 1.000000e+00 : f32
    %add3A_291 = vector.broadcast %add3A_290 : f32 to vector<16xf32>
    %add3A_292 = arith.addf %add3A_291, %exp3A_289 : vector<16xf32>
    %div3A_293 = arith.constant 1.000000e+00 : f32
    %div3A_294 = vector.broadcast %div3A_293 : f32 to vector<16xf32>
    %div3A_295 = arith.divf %div3A_294, %add3A_292 : vector<16xf32>
    %swap3A_296 = arith.constant 224 : index
    %swap3A_297 = tpu.vector_load %arg9[%swap3A_296] {strides = array<i32>} : memref<256xf32, #tpu.memory_space<vmem>>, vector<16xf32>,
    %swap3A_298 = vector.shape_cast %swap3A_297 : vector<16xf32> to vector<16xf32>
    %swap3A_299 = vector.shape_cast %div3A_295 : vector<16xf32> to vector<16xf32>
    tpu.vector_store %arg9[%swap3A_296], %swap3A_299 {strides = array<i32>} : memref<256xf32, #tpu.memory_space<vmem>>, vector<16xf32>,
    %get3A_300 = arith.constant 0 : i32
    %get3A_301 = arith.index_cast %get3A_300 : i32 to index
    %get3A_302 = arith.constant 240 : index
    %get3A_303 = tpu.vector_load %arg8[%get3A_301, %get3A_302] {strides = array<i32>} : memref<1x256xf32, #tpu.memory_space<vmem>>, vector<1x16xf32>,
    %get3A_304 = vector.shape_cast %get3A_303 : vector<1x16xf32> to vector<16xf32>
    %mul3A_305 = arith.mulf %get3A_4, %get3A_304 : vector<16xf32>
    %neg3A_306 = arith.constant 0.000000e+00 : f32
    %neg3A_307 = vector.broadcast %neg3A_306 : f32 to vector<16xf32>
    %neg3A_308 = arith.subf %neg3A_307, %mul3A_305 : vector<16xf32>
    %exp3A_309 = math.exp %neg3A_308 : vector<16xf32>
    %add3A_310 = arith.constant 1.000000e+00 : f32
    %add3A_311 = vector.broadcast %add3A_310 : f32 to vector<16xf32>
    %add3A_312 = arith.addf %add3A_311, %exp3A_309 : vector<16xf32>
    %div3A_313 = arith.constant 1.000000e+00 : f32
    %div3A_314 = vector.broadcast %div3A_313 : f32 to vector<16xf32>
    %div3A_315 = arith.divf %div3A_314, %add3A_312 : vector<16xf32>
    %swap3A_316 = arith.constant 240 : index
    %swap3A_317 = tpu.vector_load %arg9[%swap3A_316] {strides = array<i32>} : memref<256xf32, #tpu.memory_space<vmem>>, vector<16xf32>,
    %swap3A_318 = vector.shape_cast %swap3A_317 : vector<16xf32> to vector<16xf32>
    %swap3A_319 = vector.shape_cast %div3A_315 : vector<16xf32> to vector<16xf32>
    tpu.vector_store %arg9[%swap3A_316], %swap3A_319 {strides = array<i32>} : memref<256xf32, #tpu.memory_space<vmem>>, vector<16xf32>,
    "tpu.region"() ({
      %run_scoped3A = tpu.sem_alloc : memref<!tpu.dma_semaphore, #tpu.memory_space<semaphore_mem>>
      %dma_start3A_320 = tpu.memref_slice %arg5[%mul3A_0] : memref<4096xf32, #tpu.memory_space<hbm>> -> memref<256xf32, #tpu.memory_space<hbm>>
      %dma_start3A_321 = tpu.memref_slice %arg5[%mul3A_0] : memref<4096xf32, #tpu.memory_space<hbm>> -> memref<256xf32, #tpu.memory_space<hbm>>
      tpu.enqueue_dma source(%arg9 : memref<256xf32, #tpu.memory_space<vmem>>) target(%dma_start3A_321 : memref<256xf32, #tpu.memory_space<hbm>>) target_semaphore(%run_scoped3A : memref<!tpu.dma_semaphore, #tpu.memory_space<semaphore_mem>>)
      %dma_wait3A_322 = tpu.memref_slice %arg5[%mul3A_0] : memref<4096xf32, #tpu.memory_space<hbm>> -> memref<256xf32, #tpu.memory_space<hbm>>
      %dma_wait3A_323 = tpu.memref_slice %arg5[%mul3A_0] : memref<4096xf32, #tpu.memory_space<hbm>> -> memref<256xf32, #tpu.memory_space<hbm>>
      tpu.wait_dma2 semaphore(%run_scoped3A : memref<!tpu.dma_semaphore, #tpu.memory_space<semaphore_mem>>) src(%arg9 : memref<256xf32, #tpu.memory_space<vmem>>) dst(%dma_wait3A_323 : memref<256xf32, #tpu.memory_space<hbm>>)
      tpu.yield
    }) : () -> ()
    return
  }
}

</mosaic_0001>

<sc_bundles>
// kernel: kernel.3.cloned.1.call-start
scs
__scs_entry_jumppad:
0x0: {  	(pc) =	sbr.rel $0x88, $3  }
0x1: {  	(tag) =	ssettag $0x0;
	lr =	simm.s32 $0x1  }
0x2: {  	[smem:$0x3F9E] =	sst lr;
	_ =	strace $0xD0000000  }
0x3: {  	_ = 	snop  }
0x4: {  	_ = 	snop  }
0x5: {  	_ = 	snop  }
0x6: {  	_ = 	snop  }
0x7: {  	_ = 	snop  }
__scs_overlays_trampoline_lowered:
0x8: {  	[smem:$0x3FAD] =	sst s0  }
0x9: {  	[smem:$0x3FAE] =	sst s1  }
0xa: {  	[smem:$0x3FAF] =	sst s2  }
0xb: {  	[smem:$0x3FB0] =	sst s3  }
0xc: {  	[smem:$0x3FB1] =	sst s4  }
0xd: {  	[smem:$0x3FB2] =	sst s5  }
0xe: {  	[smem:$0x3FB3] =	sst s6  }
0xf: {  	[smem:$0x3FB4] =	sst s7  }
0x10: {  	[smem:$0x3FB5] =	sst s8  }
0x11: {  	[smem:$0x3FB6] =	sst s9;
	s0 =	simm.s32 @!p0 $0x0  }
0x12: {  	s1 =	sld [smem:$0x3F9C];
	s0 =	simm.s32 @p0 $0x1  }
0x13: {  	[smem:$0x3FB7] =	sst s0;
	s0 =	simm.s32 @!p1 $0x0  }
0x14: {  	s2 =	sld [smem:$0x3F9B];
	s0 =	simm.s32 @p1 $0x1  }
0x15: {  	[smem:$0x3FB8] =	sst s0;
	s0 =	simm.s32 @!p2 $0x0  }
0x16: {  	s3 =	sld [smem:$0x3FDB];
	s0 =	simm.s32 @p2 $0x1  }
0x17: {  	s4 =	simm.s32 $0x1BF5;
	[smem:$0x3FBA] =	sst s0  }
0x18: {  	s0 =	sld [smem:$0x3F9D];
	_ =	swait.ge [sflag:s4], $0x0  }
0x19: {  	s7 =	sld [smem:$0x3F9E]  }
0x1a: {  	s8 =	sadd.s32 $0xFFFFE003, lr  }
0x1b: {  	s9 =	sadd.s32 $0xFFFFFEF7, lr;
	s5 =	simm.s32 $0xFFFFFFFF;
	p2 =	slt.u32 s8, $0xFFFFF086  }
0x1c: {  	p1 =	slt.u32 s9, $0xF7A;
	s5 =	simm.s32 @!p2 $0x0  }
0x1d: {  	s5 =	simm.s32 @p1 $0x1;
	p0 =	seq.s32 s7, s2  }
0x1e: {  	s7 =	smul.u32 @!p0 $0xF7A, s2;
	p2 =	seq.s32 @!p0 s5, $0x0  }
0x1f: {  	s9 =	smul.u32 $0xF7A, s1;
	s8 =	simm.s32 @!p0 $0x1BF5;
	p2 =	por !p2, p0  }
0x20: {  	[sflag:s8] =	ssyncset.s32 @!p0 $0xFFFFF086;
	s6 =	sadd.s32 @!p0 s3, s7;
	s7 =	simm.s32 @!p0 $0x108  }
0x21: {  	s3 =	sadd.s32 s3, s9;
	s6 =	sadd.s32 @!p0 $0x88, s6;
	s7 =	simm.s32 @p2 $0x1082  }
0x22: {  	[simem:s7], [sflag:s8] =	dma.local @!p0 [hbm:s6], $0xF7A  }
0x23: {  	s9 =	sor.u32 $0xD0000000, s2;
	s6 =	simm.s32 $0x108;
	_ =	swait.ge @!p0 [sflag:s8], $0x0  }
0x24: {  	s3 =	sadd.s32 $0x88, s3;
	s6 =	simm.s32 @!p1 $0x1082;
	[sflag:s4] =	ssyncset.s32 $0xFFFFF086  }
0x25: {  	[simem:s6], [sflag:s4] =	dma.local [hbm:s3], $0xF7A  }
0x26: {  	[smem:$0x3F9E] =	sst s1;
	(tag) =	ssettag s2;
	_ =	strace s9  }
0x27: {  	s1 =	sld [smem:$0x3FAE]  }
0x28: {  	s2 =	sld [smem:$0x3FAF]  }
0x29: {  	s4 =	sld [smem:$0x3FB1]  }
0x2a: {  	p0 =	seq.s32 s5, $0x0;
	s5 =	sld [smem:$0x3FB2]  }
0x2b: {  	s6 =	sld [smem:$0x3FB3]  }
0x2c: {  	s7 =	sld [smem:$0x3FB4]  }
0x2d: {  	s3 =	simm.s32 $0x108;
	s8 =	sld [smem:$0x3FB5]  }
0x2e: {  	s3 =	simm.s32 @!p0 $0x1082;
	s9 =	sld [smem:$0x3FB6]  }
0x2f: {  	lr =	sadd.s32 s0, s3;
	s0 =	sld [smem:$0x3FAD]  }
0x30: {  	s3 =	sld [smem:$0x3FB0]  }
0x31: {  	[smem:$0x3FB9] =	sst s10  }
0x32: {  	s10 =	sld [smem:$0x3FB7];
	_ =	sdelay $0x3  }
0x33: {  	p0 =	seq.s32 s10, $0x1;
	s10 =	sld [smem:$0x3FB9];
	_ =	sdelay $0x3  }
0x34: {  	[smem:$0x3FB9] =	sst s10  }
0x35: {  	s10 =	sld [smem:$0x3FB8];
	_ =	sdelay $0x3  }
0x36: {  	p1 =	seq.s32 s10, $0x1;
	s10 =	sld [smem:$0x3FB9];
	_ =	sdelay $0x3  }
0x37: {  	[smem:$0x3FB9] =	sst s10  }
0x38: {  	s10 =	sld [smem:$0x3FBA]  }
0x39: {  	_ = 	snop;
	(pc) =	sbr.ind lr, $3  }
0x3a: {  	_ = 	snop  }
0x3b: {  	_ = 	snop  }
0x3c: {  	p2 =	seq.s32 s10, $0x1;
	s10 =	sld [smem:$0x3FB9]  }
0x3d: {  	_ =	shalt  }
0x3e: {  	_ =	shalt  }
0x3f: {  	_ =	shalt  }
0x40: {  	_ =	shalt  }
0x41: {  	_ =	shalt  }
0x42: {  	_ =	shalt  }
0x43: {  	_ =	shalt  }
0x44: {  	_ =	shalt  }
0x45: {  	_ =	shalt  }
0x46: {  	_ =	shalt  }
0x47: {  	_ =	shalt  }
0x48: {  	_ =	shalt  }
0x49: {  	_ =	shalt  }
0x4a: {  	_ =	shalt  }
0x4b: {  	_ =	shalt  }
0x4c: {  	_ =	shalt  }
0x4d: {  	_ =	shalt  }
0x4e: {  	_ =	shalt  }
0x4f: {  	_ =	shalt  }
0x50: {  	_ =	shalt  }
0x51: {  	_ =	shalt  }
0x52: {  	_ =	shalt  }
0x53: {  	_ =	shalt  }
0x54: {  	_ =	shalt  }
0x55: {  	_ =	shalt  }
0x56: {  	_ =	shalt  }
0x57: {  	_ =	shalt  }
0x58: {  	_ =	shalt  }
0x59: {  	_ =	shalt  }
0x5a: {  	_ =	shalt  }
0x5b: {  	_ =	shalt  }
0x5c: {  	_ =	shalt  }
0x5d: {  	_ =	shalt  }
0x5e: {  	_ =	shalt  }
0x5f: {  	_ =	shalt  }
0x60: {  	_ =	shalt  }
0x61: {  	_ =	shalt  }
0x62: {  	_ =	shalt  }
0x63: {  	_ =	shalt  }
0x64: {  	_ =	shalt  }
0x65: {  	_ =	shalt  }
0x66: {  	_ =	shalt  }
0x67: {  	_ =	shalt  }
0x68: {  	_ =	shalt  }
0x69: {  	_ =	shalt  }
0x6a: {  	_ =	shalt  }
0x6b: {  	_ =	shalt  }
0x6c: {  	_ =	shalt  }
0x6d: {  	_ =	shalt  }
0x6e: {  	_ =	shalt  }
0x6f: {  	_ =	shalt  }
0x70: {  	_ =	shalt  }
0x71: {  	_ =	shalt  }
0x72: {  	_ =	shalt  }
0x73: {  	_ =	shalt  }
0x74: {  	_ =	shalt  }
0x75: {  	_ =	shalt  }
0x76: {  	_ =	shalt  }
0x77: {  	_ =	shalt  }
0x78: {  	_ =	shalt  }
0x79: {  	_ =	shalt  }
0x7a: {  	_ =	shalt  }
0x7b: {  	_ =	shalt  }
0x7c: {  	_ =	shalt  }
0x7d: {  	_ =	shalt  }
0x7e: {  	_ =	shalt  }
0x7f: {  	_ =	shalt  }
0x80: {  	_ =	shalt  }
0x81: {  	_ =	shalt  }
0x82: {  	_ =	shalt  }
0x83: {  	_ =	shalt  }
0x84: {  	_ =	shalt  }
0x85: {  	_ =	shalt  }
0x86: {  	_ =	shalt  }
0x87: {  	_ =	shalt  }
.Lfunc_end0:
.L_simem_size_0:
called_computation_lowered:
.L_overlay_start_0:
0x88: {  	s0 =	sld [smem:$0x3FD9]  }
0x89: {  	s1 =	sld [smem:$0x3FFE];
	_ =	sdelay $0x3  }
0x8a: {  	s0 =	sadd.s32 s1, s0  }
0x8b: {  	[smem:$0x3FC5] =	sst s0  }
0x8c: {  	_ = 	snop  }
0x8d: {  	s0 =	sld [smem:$0x3FC9]  }
0x8e: {  	s16 =	sld [smem:$0x3FC8]  }
0x8f: {  	s2 =	sld [smem:$0x3FD0];
	(tm) =	ssettm $0x1  }
0x90: {  	s3 =	sld [smem:$0x3FFB];
	_ =	sdelay $0x3  }
0x91: {  	_ =	strace s3  }
0x92: {  	s3 =	sld [smem:$0x3FFC];
	_ =	sdelay $0x3  }
0x93: {  	_ =	strace s3  }
0x94: {  	s3 =	sld [smem:$0x3FFD];
	_ =	sdelay $0x3  }
0x95: {  	_ =	strace s3  }
0x96: {  	_ =	strace $0x8FFFFFFF  }
0x97: {  	s17 =	sld [smem:$0x3FDB];
	_ =	sdelay $0x1  }
0x98: {  	s4 =	simm.s32 $_scs_section_size  }
0x99: {  	s5 =	simm.s32 $_size__tile_overlayer_lowered;
	s6 =	simm.s32 $_tile_overlayer_lowered  }
0x9a: {  	s20 =	simm.s32 $0x1BFF;
	s19 =	sshll.u32 s6, $0x1;
	s3 =	sadd.s32 s4, s17  }
0x9b: {  	s7 =	simm.s32 $0x0;
	s18 =	sshll.u32 s5, $0x1;
	s5 =	sadd.s32 s19, s3  }
0x9c: {  	[timem:s7], [sflag:s20] =	dma.local [hbm:s5], s18  }
0x9d: {  	_ =	swait.ge [sflag:s20], s18  }
0x9e: {  	s4 =	ssub.s32 $0x0, s18;
	[sflag:s20] =	ssyncset.done $0x0  }
0x9f: {  	[sflag:s20] =	ssyncadd.s32 s4;
	_ =	sdelay $0x1  }
0xa0: {  	s21 =	simm.s32 $0x1B8B  }
0xa1: {  	_ =	swait.ge [sflag:s21], $0x1  }
0xa2: {  	[sflag:s21] =	ssyncset.done $0x0  }
0xa3: {  	s23 =	simm.s32 $0x1B8E;
	s22 =	sld [smem:$0x3FFE];
	[sflag:s21] =	ssyncadd.s32 $0xFFFFFFFF  }
0xa4: {  	s24 =	simm.s32 $execute0_lowered;
	[smem:$0x3FD2] =	sst s23  }
0xa5: {  	s5 =	sshll.u32 s24, $0x1;
	_ =	strace $0x80000046;
	[dreg:$0x1] =	wrdreg $0xFFFFFFFF  }
0xa6: {  	s25 =	simm.s32 $_size_execute0_lowered;
	s3 =	sadd.s32 s3, s5;
	[dreg:$0x0] =	wrdreg $0x0  }
0xa7: {  	s5 =	sshll.u32 s25, $0x1;
	[dreg:$0x2] =	wrdreg s3  }
0xa8: {  	[dreg:$0x3] =	wrdreg s5  }
0xa9: {  	[dreg:$0x4] =	wrdreg $0xC0  }
0xaa: {  	_ =	task [dreg:s7], $0x5FFFF  }
0xab: {  	[dreg:$0x1] =	wrdreg $0xFFFFFFFF  }
0xac: {  	[dreg:$0x0] =	wrdreg $0x60  }
0xad: {  	[dreg:$0x2] =	wrdreg s0  }
0xae: {  	[dreg:$0x3] =	wrdreg s16  }
0xaf: {  	[dreg:$0x4] =	wrdreg s22  }
0xb0: {  	[dreg:$0x5] =	wrdreg s2  }
0xb1: {  	[dreg:$0x6] =	wrdreg $0x9  }
0xb2: {  	_ =	task.clear_ibuf [dreg:s7], $0x7FFFF;
	_ =	strace $0x90000046  }
0xb3: {  	s26 =	simm.s32 $0x9;
	_ =	strace $0x80000048  }
0xb4: {  	_ =	swait.ge [sflag:s26], $0x1  }
0xb5: {  	[sflag:s26] =	ssyncadd.s32 $0xFFFFFFFF  }
0xb6: {  	_ =	strace $0x90000048  }
0xb7: {  	_ =	sfence  }
0xb8: {  	s28 =	sld [smem:$0x0];
	_ =	sdelay $0x1  }
0xb9: {  	s29 =	srdreg.scid  }
0xba: {  	s30 =	sshll.u32 s29, $0xD;
	s31 =	sshrl.u32 s29, $0x2  }
0xbb: {  	s1 =	sand.u32 $0x1, s29;
	s2 =	sand.u32 $0x4000, s30;
	s0 =	sadd.s32 s31, s28  }
0xbc: {  	s1 =	sor.u32 s2, s1;
	s0 =	sshll.u32 s0, $0x11  }
0xbd: {  	s0 =	sor.u32 s0, s1  }
0xbe: {  	s0 =	sadd.s32 $0x8F2B, s0  }
0xbf: {  	[sflag:s0] =	ssyncadd.remote.s32 $0x1  }
0xc0: {  	_ =	sfence.sel $0xFFFF  }
0xc1: {  	[dreg:$0x0] =	wrdreg $0xFFFFFFFF;
	(pc) =	sbr.abs _section_cstart, $3  }
0xc2: {  	[dreg:$0x1] =	wrdreg $0xFFFFFFFF  }
0xc3: {  	_ =	task.clear_ibuf [dreg:s7], $0x2FFFF;
	_ =	strace $0x9FFFFFFF  }
0xc4: {  	(tm) =	ssettm $0x7FFFFFFF  }
0xc5: {  	_ =	shalt  }
tec
execute0_lowered:
.L_overlay_start_1:
0x0: {  	(tag) =	ssettag $0x1  }
0x1: {  	s4 =	rddreg [dreg:$0x0]  }
0x2: {  	s3 =	rddreg [dreg:$0x1]  }
0x3: {  	s5 =	rddreg [dreg:$0x2]  }
0x4: {  	s2 =	rddreg [dreg:$0x3];
	s1 =	simm.s32 $0x0  }
0x5: {  	[smem:$0x7FF] =	sst s1  }
0x6: {  	s0 =	rddreg [dreg:$0x4];
	_ =	strace $0x80000047  }
0x7: {  	[tilespmem:s1], [sflag:$0x1] =	stream.linear.gather [hbm4b:s3+s1], $0x80, $0x38;
	[tilespmem:$0x300] =	vst v63  }
0x8: {  	s21 =	simm.s32 $0x80;
	s22 =	simm.s32 $0x1;
	s20 =	sadd.s32 $0x400, s5  }
0x9: {  	[tilespmem:s21], [sflag:$0x2] =	stream.linear.gather [hbm4b:s20+s1], $0x80, $0x38;
	[tilespmem:$0x300] =	vst v63  }
0xa: {  	_ =	swait.ge [sflag:s22], $0x80  }
0xb: {  	[sflag:s22] =	ssyncset.done $0x0  }
0xc: {  	[sflag:s22] =	ssyncadd.s32 $0xFFFFFF80  }
0xd: {  	v0 =	vld.msk [tilespmem:$0x0], $0x1;
	_ =	sdelay $0x4  }
0xe: {  	v1 =	vshll.u32 v0, $0x5  }
0xf: {  	v0 =	vand.u32 $0x7, v0;
	v1 =	vand.u32 $0xFFFFFF00, v1  }
0x10: {  	v39 =	vimm.s32 $0x0;
	v2 =	vlaneseq.u32;
	v0 =	vor.u32 v0, v1  }
0x11: {  	v40 =	vmul.u32 $0x8, v2;
	v0 =	vperm.xlane v0, v39;
	_ =	sdelay $0x1  }
0x12: {  	v0 =	vadd.s32 v40, v0;
	_ =	sdelay $0x1  }
0x13: {  	s23 =	stileid.u32  }
0x14: {  	s24 =	sshll.u32 s23, $0x8  }
0x15: {  	vm0 =	vmmov $0x3;
	s25 =	simm.s32 $0x100;
	s26 =	simm.s32 $0x2;
	s4 =	sadd.s32 s4, s24  }
0x16: {  	[tilespmem:s25], [sflag:$0x3] =	stream.indirect_vreg.gather [hbm4b:s4+s1], $0x80, v0, vm0, $0xb8;
	[tilespmem:$0x300] =	vst v63  }
0x17: {  	_ =	swait.ge [sflag:s26], $0x80  }
0x18: {  	[sflag:s26] =	ssyncset.done $0x0  }
0x19: {  	s28 =	simm.s32 $0x3;
	[sflag:s26] =	ssyncadd.s32 $0xFFFFFF80  }
0x1a: {  	_ =	swait.ge [sflag:s28], $0x100  }
0x1b: {  	[sflag:s28] =	ssyncset.done $0x0  }
0x1c: {  	[sflag:s28] =	ssyncadd.s32 $0xFFFFFF00  }
0x1d: {  	v41 =	vld [tilespmem:$0x80]  }
0x1e: {  	v42 =	vld [tilespmem:$0x100];
	_ =	sdelay $0x4  }
0x1f: {  	v1 =	vmul.f32 v42, v41;
	_ =	sdelay $0x1  }
0x20: {  	v1 =	vsub.f32 $0.0e+00, v1;
	_ =	sdelay $0x1  }
0x21: {  	v1 =	vmul.f32 $1.442695020e+00, v1;
	_ =	sdelay $0x1  }
0x22: {  	(erf) = vpow2.f32 v1;
	_ =	sdelay $0x1  }
0x23: {  	v43 =	vld [tilespmem:$0x110];
	_ =	sdelay $0x4  }
0x24: {  	v1 =	vmul.f32 v43, v41;
	_ =	sdelay $0x1  }
0x25: {  	v1 =	vsub.f32 $0.0e+00, v1;
	v44 =	vpop (erf)  }
0x26: {  	v2 =	vadd.f32 $1.000000000e+00, v44  }
0x27: {  	v1 =	vmul.f32 $1.442695020e+00, v1  }
0x28: {  	(erf) = vrcp.f32 v2  }
0x29: {  	(erf) = vpow2.f32 v1;
	_ =	sdelay $0x1  }
0x2a: {  	v45 =	vld [tilespmem:$0x120];
	_ =	sdelay $0x4  }
0x2b: {  	v1 =	vmul.f32 v45, v41  }
0x2c: {  	v2 =	vpop (erf)  }
0x2d: {  	v1 =	vsub.f32 $0.0e+00, v1;
	v3 =	vpop (erf)  }
0x2e: {  	v3 =	vadd.f32 $1.000000000e+00, v3  }
0x2f: {  	v1 =	vmul.f32 $1.442695020e+00, v1  }
0x30: {  	(erf) = vrcp.f32 v3  }
0x31: {  	(erf) = vpow2.f32 v1;
	_ =	sdelay $0x1  }
0x32: {  	v46 =	vld [tilespmem:$0x130];
	_ =	sdelay $0x4  }
0x33: {  	v1 =	vmul.f32 v46, v41  }
0x34: {  	v3 =	vpop (erf)  }
0x35: {  	v1 =	vsub.f32 $0.0e+00, v1;
	v4 =	vpop (erf)  }
0x36: {  	v4 =	vadd.f32 $1.000000000e+00, v4  }
0x37: {  	v1 =	vmul.f32 $1.442695020e+00, v1  }
0x38: {  	(erf) = vrcp.f32 v4  }
0x39: {  	(erf) = vpow2.f32 v1;
	_ =	sdelay $0x1  }
0x3a: {  	v47 =	vld [tilespmem:$0x140];
	_ =	sdelay $0x4  }
0x3b: {  	v1 =	vmul.f32 v47, v41  }
0x3c: {  	v4 =	vpop (erf)  }
0x3d: {  	v1 =	vsub.f32 $0.0e+00, v1;
	v5 =	vpop (erf)  }
0x3e: {  	v5 =	vadd.f32 $1.000000000e+00, v5  }
0x3f: {  	v1 =	vmul.f32 $1.442695020e+00, v1  }
0x40: {  	(erf) = vrcp.f32 v5  }
0x41: {  	(erf) = vpow2.f32 v1;
	_ =	sdelay $0x1  }
0x42: {  	v48 =	vld [tilespmem:$0x150];
	_ =	sdelay $0x4  }
0x43: {  	v1 =	vmul.f32 v48, v41  }
0x44: {  	v5 =	vpop (erf)  }
0x45: {  	v1 =	vsub.f32 $0.0e+00, v1;
	v6 =	vpop (erf)  }
0x46: {  	v6 =	vadd.f32 $1.000000000e+00, v6  }
0x47: {  	v1 =	vmul.f32 $1.442695020e+00, v1  }
0x48: {  	(erf) = vrcp.f32 v6  }
0x49: {  	(erf) = vpow2.f32 v1;
	_ =	sdelay $0x1  }
0x4a: {  	v49 =	vld [tilespmem:$0x160];
	_ =	sdelay $0x4  }
0x4b: {  	v1 =	vmul.f32 v49, v41  }
0x4c: {  	v6 =	vpop (erf)  }
0x4d: {  	v1 =	vsub.f32 $0.0e+00, v1;
	v7 =	vpop (erf)  }
0x4e: {  	v7 =	vadd.f32 $1.000000000e+00, v7  }
0x4f: {  	v1 =	vmul.f32 $1.442695020e+00, v1  }
0x50: {  	(erf) = vrcp.f32 v7  }
0x51: {  	(erf) = vpow2.f32 v1;
	_ =	sdelay $0x1  }
0x52: {  	v50 =	vld [tilespmem:$0x170];
	_ =	sdelay $0x4  }
0x53: {  	v1 =	vmul.f32 v50, v41  }
0x54: {  	v7 =	vpop (erf)  }
0x55: {  	v1 =	vsub.f32 $0.0e+00, v1;
	v8 =	vpop (erf)  }
0x56: {  	v8 =	vadd.f32 $1.000000000e+00, v8  }
0x57: {  	v1 =	vmul.f32 $1.442695020e+00, v1  }
0x58: {  	(erf) = vrcp.f32 v8  }
0x59: {  	(erf) = vpow2.f32 v1;
	_ =	sdelay $0x1  }
0x5a: {  	v51 =	vld [tilespmem:$0x180];
	_ =	sdelay $0x4  }
0x5b: {  	v1 =	vmul.f32 v51, v41  }
0x5c: {  	v8 =	vpop (erf)  }
0x5d: {  	v1 =	vsub.f32 $0.0e+00, v1;
	v9 =	vpop (erf)  }
0x5e: {  	v9 =	vadd.f32 $1.000000000e+00, v9  }
0x5f: {  	v1 =	vmul.f32 $1.442695020e+00, v1  }
0x60: {  	(erf) = vrcp.f32 v9  }
0x61: {  	(erf) = vpow2.f32 v1;
	_ =	sdelay $0x1  }
0x62: {  	v52 =	vld [tilespmem:$0x190];
	_ =	sdelay $0x4  }
0x63: {  	v1 =	vmul.f32 v52, v41  }
0x64: {  	v9 =	vpop (erf)  }
0x65: {  	v1 =	vsub.f32 $0.0e+00, v1;
	v10 =	vpop (erf)  }
0x66: {  	v10 =	vadd.f32 $1.000000000e+00, v10  }
0x67: {  	v1 =	vmul.f32 $1.442695020e+00, v1  }
0x68: {  	(erf) = vrcp.f32 v10  }
0x69: {  	(erf) = vpow2.f32 v1;
	_ =	sdelay $0x1  }
0x6a: {  	v53 =	vld [tilespmem:$0x1A0];
	_ =	sdelay $0x4  }
0x6b: {  	v1 =	vmul.f32 v53, v41  }
0x6c: {  	v10 =	vpop (erf)  }
0x6d: {  	v1 =	vsub.f32 $0.0e+00, v1;
	v11 =	vpop (erf)  }
0x6e: {  	v11 =	vadd.f32 $1.000000000e+00, v11  }
0x6f: {  	v1 =	vmul.f32 $1.442695020e+00, v1  }
0x70: {  	(erf) = vrcp.f32 v11  }
0x71: {  	(erf) = vpow2.f32 v1;
	_ =	sdelay $0x1  }
0x72: {  	v54 =	vld [tilespmem:$0x1B0];
	_ =	sdelay $0x4  }
0x73: {  	v1 =	vmul.f32 v54, v41  }
0x74: {  	v11 =	vpop (erf)  }
0x75: {  	v1 =	vsub.f32 $0.0e+00, v1;
	v12 =	vpop (erf)  }
0x76: {  	v12 =	vadd.f32 $1.000000000e+00, v12  }
0x77: {  	v1 =	vmul.f32 $1.442695020e+00, v1  }
0x78: {  	(erf) = vrcp.f32 v12  }
0x79: {  	(erf) = vpow2.f32 v1;
	_ =	sdelay $0x1  }
0x7a: {  	v55 =	vld [tilespmem:$0x1C0];
	_ =	sdelay $0x4  }
0x7b: {  	v1 =	vmul.f32 v55, v41  }
0x7c: {  	v12 =	vpop (erf)  }
0x7d: {  	v1 =	vsub.f32 $0.0e+00, v1;
	v13 =	vpop (erf)  }
0x7e: {  	v13 =	vadd.f32 $1.000000000e+00, v13  }
0x7f: {  	v1 =	vmul.f32 $1.442695020e+00, v1  }
0x80: {  	(erf) = vrcp.f32 v13  }
0x81: {  	(erf) = vpow2.f32 v1;
	_ =	sdelay $0x1  }
0x82: {  	v56 =	vld [tilespmem:$0x1D0];
	_ =	sdelay $0x4  }
0x83: {  	v1 =	vmul.f32 v56, v41  }
0x84: {  	v13 =	vpop (erf)  }
0x85: {  	v1 =	vsub.f32 $0.0e+00, v1;
	v14 =	vpop (erf)  }
0x86: {  	v14 =	vadd.f32 $1.000000000e+00, v14  }
0x87: {  	v1 =	vmul.f32 $1.442695020e+00, v1  }
0x88: {  	(erf) = vrcp.f32 v14  }
0x89: {  	(erf) = vpow2.f32 v1;
	_ =	sdelay $0x1  }
0x8a: {  	v57 =	vld [tilespmem:$0x1E0];
	_ =	sdelay $0x4  }
0x8b: {  	v1 =	vmul.f32 v57, v41  }
0x8c: {  	v14 =	vpop (erf)  }
0x8d: {  	v1 =	vsub.f32 $0.0e+00, v1;
	v15 =	vpop (erf)  }
0x8e: {  	v15 =	vadd.f32 $1.000000000e+00, v15  }
0x8f: {  	v1 =	vmul.f32 $1.442695020e+00, v1  }
0x90: {  	(erf) = vrcp.f32 v15  }
0x91: {  	(erf) = vpow2.f32 v1;
	_ =	sdelay $0x1  }
0x92: {  	v58 =	vld [tilespmem:$0x1F0];
	_ =	sdelay $0x4  }
0x93: {  	v0 =	vmul.f32 v58, v41  }
0x94: {  	v59 =	vpop (erf)  }
0x95: {  	v0 =	vsub.f32 $0.0e+00, v0;
	v60 =	vpop (erf)  }
0x96: {  	v15 =	vadd.f32 $1.000000000e+00, v60  }
0x97: {  	v0 =	vmul.f32 $1.442695020e+00, v0  }
0x98: {  	(erf) = vrcp.f32 v15  }
0x99: {  	(erf) = vpow2.f32 v0;
	_ =	sdelay $0x6  }
0x9a: {  	[tilespmem:$0x200] =	vst v2  }
0x9b: {  	[tilespmem:$0x210] =	vst v3;
	v61 =	vpop (erf)  }
0x9c: {  	[tilespmem:$0x220] =	vst v4;
	v62 =	vpop (erf)  }
0x9d: {  	[tilespmem:$0x230] =	vst v5;
	v2 =	vadd.f32 $1.000000000e+00, v62  }
0x9e: {  	[tilespmem:$0x240] =	vst v6  }
0x9f: {  	[tilespmem:$0x250] =	vst v7;
	(erf) = vrcp.f32 v2  }
0xa0: {  	[tilespmem:$0x260] =	vst v8  }
0xa1: {  	[tilespmem:$0x270] =	vst v9  }
0xa2: {  	[tilespmem:$0x280] =	vst v10  }
0xa3: {  	[tilespmem:$0x290] =	vst v11  }
0xa4: {  	[tilespmem:$0x2A0] =	vst v12  }
0xa5: {  	[tilespmem:$0x2B0] =	vst v13  }
0xa6: {  	[tilespmem:$0x2C0] =	vst v14  }
0xa7: {  	[tilespmem:$0x2D0] =	vst v59  }
0xa8: {  	s29 =	sshll.u32 s23, $0x5;
	[tilespmem:$0x2E0] =	vst v61;
	v63 =	vpop (erf)  }
0xa9: {  	s30 =	simm.s32 $0x200;
	s31 =	simm.s32 $0x4;
	s2 =	sadd.s32 s2, s29;
	[tilespmem:$0x2F0] =	vst v63  }
0xaa: {  	[hbm4b:s2+s1] =	stream.linear.scatter [tilespmem:s30], [sflag:$0x4], $0x100, $0x38;
	[tilespmem:$0x300] =	vst v63  }
0xab: {  	_ =	swait.ge [sflag:s31], $0x100  }
0xac: {  	[sflag:s31] =	ssyncset.done $0x0  }
0xad: {  	[sflag:s31] =	ssyncadd.s32 $0xFFFFFF00  }
0xae: {  	_ =	sfence.sel $0x180000  }
0xaf: {  	[bflag:$0x0] =	sbarrier.arrive $0xFFFF  }
0xb0: {  	p0 =	sne.s32 s23, $0x0;
	_ =	strace $0x90000047  }
0xb1: {  	s0 =	sadd.s32 @!p0 $0x100000, s0;
	[bflag:$0x2] =	sbarrier.arrive $0xFFFF  }
0xb2: {  	[sflag:s0] =	ssyncadd.tile.s32 @!p0 $0x1;
	_ =	shalt  }
.Lfunc_end2:
_tile_overlayer_lowered:
.L_overlay_start_2:
0xb3: {  	(tag) =	ssettag $0x2  }
0xb4: {  	s0 =	rddreg [dreg:$0x0];
	s2 =	stileid.u32  }
0xb5: {  	s1 =	rddreg [dreg:$0x1];
	p0 =	sne.s32 s2, $0x0  }
0xb6: {  	s3 =	rddreg [dreg:$0x2];
	[bflag:$0x3] =	sbarrier.arrive $0xFFFF;
	s2 =	simm.s32 @!p0 $0x1C04  }
0xb7: {  	[timem:s3], [sflag:s2] =	dma.local @!p0 [hbm:s0], s1  }
0xb8: {  	s0 =	simm.s32 @!p0 $0x4  }
0xb9: {  	_ =	swait.ge @!p0 [sflag:s0], s1  }
0xba: {  	s1 =	ssub.s32 @!p0 $0x0, s1;
	[sflag:s0] =	ssyncset.done @!p0 $0x0  }
0xbb: {  	[sflag:s0] =	ssyncadd.s32 @!p0 s1  }
0xbc: {  	[bflag:$0x3] =	sbarrier.arrive $0xFFFF  }
0xbd: {  	_ =	shalt  }

</sc_bundles>
